<compile_context>
chip_gen: v7x
topology: tpu7x:2x2x1
jax: 0.10.2.dev20260603
libtpu: 0.0.44.dev20260713+nightly
codegen_flags: <defaults>
</compile_context>

<pallas_src>
import functools

import jax
import jax.numpy as jnp
from jax import lax
from jax.experimental import pallas as pl
from jax.experimental.pallas import tpu as pltpu
from jax.experimental.pallas import tpu_sc as plsc

_N = 10000
_E = 320000
_D = 128
_G = 64
_C = 128
_NCHUNK = _E // _C
_NW = 32
_NP = 10240
_RPS = _NP // 16
_CB = 64
_NCHUNK_B = _E // _CB

_mesh = plsc.VectorSubcoreMesh(core_axis_name="c", subcore_axis_name="s")


def _zero16():
    return jnp.zeros((16,), jnp.float32)


def _chunk_loop(wid, body, nchunk=_NCHUNK):
    nfull = nchunk // _NW
    rem = nchunk - nfull * _NW
    trips = nfull + jnp.where(wid < rem, 1, 0)

    def fbody(k, carry):
        body(wid + k * _NW)
        return carry

    lax.fori_loop(0, trips, fbody, 0)


def _zero_shared(zsrc, acc, sid, ncopy, zrows):
    @pl.loop(0, ncopy)
    def _(j):
        pltpu.sync_copy(zsrc, acc.at[pl.ds(sid * _RPS + j * zrows, zrows)])


@jax.jit
def _sc_cnt(col):
    out = jax.ShapeDtypeStruct((2, _NP, _D), jnp.float32)
    scratch = [
        pltpu.VMEM_SHARED((_NP, _D), jnp.float32),
        pltpu.VMEM((_C,), jnp.int32),
        pltpu.VMEM((_C, _D), jnp.float32),
    ]

    def body(col_h, cnt_h, cacc, cidx, ones):
        cid = lax.axis_index("c")
        sid = lax.axis_index("s")
        wid = sid * 2 + cid
        z16 = _zero16()
        o16 = jnp.ones((16,), jnp.float32)

        @pl.loop(0, _C)
        def _(i):
            for r in range(8):
                ones[i, pl.ds(r * 16, 16)] = z16

        _zero_shared(ones, cacc, sid, 5, _C)

        @pl.loop(0, _C)
        def _(i):
            for r in range(8):
                ones[i, pl.ds(r * 16, 16)] = o16

        plsc.subcore_barrier()

        def chunk(g):
            base = g * _C
            pltpu.sync_copy(col_h.at[pl.ds(base, _C)], cidx)
            pltpu.sync_copy(ones, cacc.at[cidx], add=True)

        _chunk_loop(wid, chunk)
        plsc.subcore_barrier()
        pltpu.sync_copy(cacc.at[pl.ds(sid * _RPS, _RPS)],
                        cnt_h.at[cid, pl.ds(sid * _RPS, _RPS)])

    k = pl.kernel(body, mesh=_mesh, out_type=out, scratch_types=scratch)
    return k(col)


@jax.jit
def _sc_phase_a(x, row, col, earep):
    out = jax.ShapeDtypeStruct((2, _NP, _D), jnp.float32)
    scratch = [
        pltpu.VMEM_SHARED((_NP, _D), jnp.float32),
        pltpu.VMEM((_C,), jnp.int32),
        pltpu.VMEM((_C,), jnp.int32),
        pltpu.VMEM((_C, 16), jnp.float32),
        pltpu.VMEM((_C, _D), jnp.float32),
        pltpu.SemaphoreType.DMA,
    ]

    def body(x_h, row_h, col_h, ea_h, out_h, acc, ridx, cidx, eab, gbuf, sem):
        cid = lax.axis_index("c")
        sid = lax.axis_index("s")
        wid = sid * 2 + cid
        z16 = _zero16()

        @pl.loop(0, _C)
        def _(i):
            for r in range(8):
                gbuf[i, pl.ds(r * 16, 16)] = z16

        _zero_shared(gbuf, acc, sid, 5, _C)
        plsc.subcore_barrier()

        def chunk(g):
            base = g * _C
            pltpu.sync_copy(row_h.at[pl.ds(base, _C)], ridx)
            pltpu.sync_copy(col_h.at[pl.ds(base, _C)], cidx)
            pltpu.sync_copy(ea_h.at[pl.ds(base, _C)], eab)
            pltpu.async_copy(x_h.at[ridx], gbuf, sem).wait()

            @pl.loop(0, _C)
            def _(c):
                eav = eab[c, pl.ds(0, 16)]
                for rr in range(8):
                    gbuf[c, pl.ds(rr * 16, 16)] = (
                        gbuf[c, pl.ds(rr * 16, 16)] * eav)

            pltpu.sync_copy(gbuf, acc.at[cidx], add=True)

        _chunk_loop(wid, chunk)
        plsc.subcore_barrier()
        pltpu.sync_copy(acc.at[pl.ds(sid * _RPS, _RPS)],
                        out_h.at[cid, pl.ds(sid * _RPS, _RPS)])

    k = pl.kernel(body, mesh=_mesh, out_type=out, scratch_types=scratch)
    return k(x, row, col, earep)


@jax.jit
def _sc_phase_b(th, row, col, earep):
    out = jax.ShapeDtypeStruct((2, _NP, _D), jnp.float32)
    scratch = [
        pltpu.VMEM_SHARED((_NP, _D), jnp.float32),
        pltpu.VMEM((_CB,), jnp.int32),
        pltpu.VMEM((_CB,), jnp.int32),
        pltpu.VMEM((_CB, 16), jnp.float32),
        pltpu.VMEM((_CB, _D), jnp.float32),
        pltpu.VMEM((_CB, _D), jnp.float32),
        pltpu.SemaphoreType.DMA,
        pltpu.SemaphoreType.DMA,
    ]

    def body(th_h, row_h, col_h, ea_h, out_h, acc, ridx, cidx, eab, ga, gb,
             sema, semb):
        cid = lax.axis_index("c")
        sid = lax.axis_index("s")
        wid = sid * 2 + cid
        z16 = _zero16()

        @pl.loop(0, _CB)
        def _(i):
            for r in range(8):
                ga[i, pl.ds(r * 16, 16)] = z16

        _zero_shared(ga, acc, sid, 10, _CB)
        plsc.subcore_barrier()

        def chunk(g):
            base = g * _CB
            pltpu.sync_copy(row_h.at[pl.ds(base, _CB)], ridx)
            pltpu.sync_copy(col_h.at[pl.ds(base, _CB)], cidx)
            pltpu.sync_copy(ea_h.at[pl.ds(base, _CB)], eab)
            ca = pltpu.async_copy(th_h.at[ridx], ga, sema)
            cb = pltpu.async_copy(th_h.at[cidx], gb, semb)
            ca.wait()
            cb.wait()

            @pl.loop(0, _CB)
            def _(c):
                eav = eab[c, pl.ds(0, 16)]
                for rr in range(8):
                    a = ga[c, pl.ds(rr * 16, 16)]
                    b_ = gb[c, pl.ds(rr * 16, 16)]
                    ga[c, pl.ds(rr * 16, 16)] = jnp.abs(a - b_) * eav

            pltpu.sync_copy(ga, acc.at[ridx], add=True)

        _chunk_loop(wid, chunk, _NCHUNK_B)
        plsc.subcore_barrier()
        pltpu.sync_copy(acc.at[pl.ds(sid * _RPS, _RPS)],
                        out_h.at[cid, pl.ds(sid * _RPS, _RPS)])

    k = pl.kernel(body, mesh=_mesh, out_type=out, scratch_types=scratch)
    return k(th, row, col, earep)



_NB = 25
_BR = _N // _NB


def _tau0_body(x_ref, gw_ref, gb_ref, th_ref):
    th_ref[...] = jax.nn.sigmoid(
        jnp.dot(x_ref[...], gw_ref[...].T, preferred_element_type=jnp.float32)
        + gb_ref[...][None, :])


def _tau0(x, gw, gb):
    return pl.pallas_call(
        _tau0_body,
        grid=(_NB,),
        in_specs=[
            pl.BlockSpec((_BR, _D), lambda i: (i, 0)),
            pl.BlockSpec((_D, _D), lambda i: (0, 0)),
            pl.BlockSpec((_D,), lambda i: (0,)),
        ],
        out_specs=pl.BlockSpec((_BR, _D), lambda i: (i, 0)),
        out_shape=jax.ShapeDtypeStruct((_N, _D), jnp.float32),
    )(x, gw, gb)


def _combine_body(with_th, x_ref, pa_ref, pb_ref, cnt_ref, lw_ref, lb_ref,
                  gw_ref, gb_ref, xo_ref, *maybe_th):
    x = x_ref[...]
    pa = pa_ref[...]
    pb = pb_ref[...]
    cnt = cnt_ref[...]
    summed = pa[0] + pa[1]
    c = cnt[0][:, 0:1] + cnt[1][:, 0:1]
    aggr = summed / jnp.clip(c, 1.0)
    out = jnp.maximum(
        jnp.dot(aggr, lw_ref[...].T, preferred_element_type=jnp.float32)
        + lb_ref[...][None, :], 0.0)
    tau = jnp.tanh(pb[0] + pb[1])
    xn = (1.0 - tau) * x + tau * out + x
    xo_ref[...] = xn
    if with_th:
        maybe_th[0][...] = jax.nn.sigmoid(
            jnp.dot(xn, gw_ref[...].T, preferred_element_type=jnp.float32)
            + gb_ref[...][None, :])


def _combine(x, pa, pb, cnt, lw, lb, gw, gb, with_th):
    outs = [jax.ShapeDtypeStruct((_N, _D), jnp.float32)]
    out_specs = [pl.BlockSpec((_BR, _D), lambda i: (i, 0))]
    if with_th:
        outs.append(jax.ShapeDtypeStruct((_N, _D), jnp.float32))
        out_specs.append(pl.BlockSpec((_BR, _D), lambda i: (i, 0)))
    res = pl.pallas_call(
        functools.partial(_combine_body, with_th),
        grid=(_NB,),
        in_specs=[
            pl.BlockSpec((_BR, _D), lambda i: (i, 0)),
            pl.BlockSpec((2, _BR, _D), lambda i: (0, i, 0)),
            pl.BlockSpec((2, _BR, _D), lambda i: (0, i, 0)),
            pl.BlockSpec((2, _BR, _D), lambda i: (0, i, 0)),
            pl.BlockSpec((_D, _D), lambda i: (0, 0)),
            pl.BlockSpec((_D,), lambda i: (0,)),
            pl.BlockSpec((_D, _D), lambda i: (0, 0)),
            pl.BlockSpec((_D,), lambda i: (0,)),
        ],
        out_specs=out_specs,
        out_shape=outs,
    )(x, pa, pb, cnt, lw, lb, gw, gb)
    return res if with_th else (res[0], None)


def _readout_body(bids_ref, x_ref, cw_ref, cb_ref, o_ref, acc_ref, cnt_ref):
    i = pl.program_id(0)

    @pl.when(i == 0)
    def _():
        acc_ref[...] = jnp.zeros_like(acc_ref)
        cnt_ref[...] = jnp.zeros_like(cnt_ref)

    bids = bids_ref[0, 0, :]
    rows = bids.shape[0]
    gi = jax.lax.broadcasted_iota(jnp.int32, (_G, rows), 0)
    onehot = (gi == bids[None, :]).astype(jnp.float32)
    acc_ref[...] += jnp.dot(onehot, x_ref[...], preferred_element_type=jnp.float32)
    cnt_ref[...] += jnp.sum(onehot, axis=1, keepdims=True)

    @pl.when(i == pl.num_programs(0) - 1)
    def _():
        emb = acc_ref[...] / jnp.clip(cnt_ref[...], 1.0)
        o_ref[...] = jnp.dot(emb, cw_ref[...].T,
                             preferred_element_type=jnp.float32) + cb_ref[...][None, :]


def _readout(x, batch, cls_w, cls_b):
    bids = batch.astype(jnp.int32).reshape(_NB, 1, _BR)
    return pl.pallas_call(
        _readout_body,
        grid=(_NB,),
        in_specs=[
            pl.BlockSpec((1, 1, _BR), lambda i: (i, 0, 0)),
            pl.BlockSpec((_BR, _D), lambda i: (i, 0)),
            pl.BlockSpec((6, _D), lambda i: (0, 0)),
            pl.BlockSpec((6,), lambda i: (0,)),
        ],
        out_specs=pl.BlockSpec((_G, 6), lambda i: (0, 0)),
        out_shape=jax.ShapeDtypeStruct((_G, 6), jnp.float32),
        scratch_shapes=[
            pltpu.VMEM((_G, _D), jnp.float32),
            pltpu.VMEM((_G, 1), jnp.float32),
        ],
    )(bids, x, cls_w, cls_b)


def kernel(x, edge_index, edge_attr, batch,
           lin_w0, lin_b0, gate_w0, gate_b0,
           lin_w1, lin_b1, gate_w1, gate_b1,
           lin_w2, lin_b2, gate_w2, gate_b2,
           cls_w, cls_b):
    row = edge_index[0].astype(jnp.int32)
    col = edge_index[1].astype(jnp.int32)
    earep = jnp.broadcast_to(edge_attr.astype(jnp.float32), (_E, 16))
    params = [
        (lin_w0, lin_b0, gate_w0, gate_b0),
        (lin_w1, lin_b1, gate_w1, gate_b1),
        (lin_w2, lin_b2, gate_w2, gate_b2),
    ]
    th = _tau0(x, gate_w0, gate_b0)
    cnt = _sc_cnt(col)
    for i, (lw, lb, gw, gb) in enumerate(params):
        pa = _sc_phase_a(x, row, col, earep)
        pb = _sc_phase_b(th, row, col, earep)
        with_th = i < 2
        ngw, ngb = (params[i + 1][2], params[i + 1][3]) if with_th else (gw, gb)
        x, th = _combine(x, pa, pb, cnt, lw, lb, ngw, ngb, with_th)
    return _readout(x, batch, cls_w, cls_b)

# --- scband reference (transcript-rebuilt; emitter-appended) ---
"""Pipeline reference for scband-deep-g2-sagegnn-3856880632363 (READ-ONLY COPY).

The authoritative reference and input builder live on the scoring server;
editing this copy changes nothing except your own understanding.
"""

import jax, jax.numpy as jnp
import numpy as np

N = 10000
E = 320000
D = 128
L = 3
G = 64
P = 1.0


def setup_inputs(seed: int = 0) -> dict:
    key = jax.random.key(seed)
    ks = jax.random.split(key, 16)
    inp = {}
    inp["x"] = jax.random.normal(ks[0], (N, D), dtype=jnp.float32)
    inp["edge_index"] = jax.random.randint(ks[1], (2, E), 0, N)
    inp["edge_attr"] = jax.random.uniform(ks[2], (E, 1), dtype=jnp.float32)
    inp["batch"] = jnp.sort(jax.random.randint(ks[3], (N,), 0, G))
    for i in range(L):
        inp[f"lin_w{i}"] = jax.random.normal(ks[4 + 2 * i], (D, D), dtype=jnp.float32) * 0.05
        inp[f"lin_b{i}"] = jnp.zeros((D,), dtype=jnp.float32)
        inp[f"gate_w{i}"] = jax.random.normal(ks[5 + 2 * i], (D, D), dtype=jnp.float32) * 0.05
        inp[f"gate_b{i}"] = jnp.zeros((D,), dtype=jnp.float32)
    inp["cls_w"] = jax.random.normal(ks[10], (6, D), dtype=jnp.float32) * 0.05
    inp["cls_b"] = jnp.zeros((6,), dtype=jnp.float32)
    return inp


def _g2sage_layer(x, row, col, edge_attr, lw, lb, gw, gb):
    # propagate with aggr='mean': message = edge_attr * x_j (x_j = x[source]=x[row]), aggregated at target=col
    msg = edge_attr * x[row]
    summed = jax.ops.segment_sum(msg, col, num_segments=N)
    cnt = jax.ops.segment_sum(jnp.ones((row.shape[0],), x.dtype), col, num_segments=N)
    out = summed / jnp.clip(cnt, 1.0)[:, None]
    out = jax.nn.relu(out @ lw.T + lb)
    tau_hat = jax.nn.sigmoid(x @ gw.T + gb)
    tau_diff = jnp.abs(tau_hat[row] - tau_hat[col]) ** P
    tau_diff = tau_diff * edge_attr
    tau_sum = jnp.zeros_like(tau_hat).at[row].add(tau_diff)
    tau = jnp.tanh(tau_sum)
    return (1.0 - tau) * x + tau * out


def reference(x, edge_index, edge_attr, batch,
              lin_w0, lin_b0, gate_w0, gate_b0,
              lin_w1, lin_b1, gate_w1, gate_b1,
              lin_w2, lin_b2, gate_w2, gate_b2,
              cls_w, cls_b):
    row, col = edge_index[0], edge_index[1]
    params = [
        (lin_w0, lin_b0, gate_w0, gate_b0),
        (lin_w1, lin_b1, gate_w1, gate_b1),
        (lin_w2, lin_b2, gate_w2, gate_b2),
    ]
    for lw, lb, gw, gb in params:
        identity = x
        x = _g2sage_layer(x, row, col, edge_attr, lw, lb, gw, gb) + identity
    s = jax.ops.segment_sum(x, batch, num_segments=G)
    c = jax.ops.segment_sum(jnp.ones((x.shape[0],), x.dtype), batch, num_segments=G)
    graph_emb = s / jnp.clip(c, 1.0)[:, None]
    return graph_emb @ cls_w.T + cls_b

if __name__ == "__main__":
    import jax
    _d = setup_inputs()
    print(jax.jit(kernel)(*tuple(_d.values())))

</pallas_src>

<mosaic_0001>
#map = affine_map<(d0, d1) -> (0)>
#map1 = affine_map<(d0, d1) -> (0, 0, 0)>
module attributes {stable_mosaic.version = 14 : i64} {
  func.func @body(%arg0: i32, %arg1: i32, %arg2: memref<320000xi32, #tpu.memory_space<hbm>>, %arg3: memref<2x10240x128xf32, #tpu.memory_space<hbm>>, %arg4: memref<10240x128xf32, #tpu.memory_space<vmem_shared>>, %arg5: memref<128xi32, #tpu.memory_space<vmem>>, %arg6: memref<128x128xf32, #tpu.memory_space<vmem>>) attributes {dimension_semantics = [#tpu.dimension_semantics<core_parallel>, #tpu.dimension_semantics<subcore_parallel>], iteration_bounds = array<i64: 2, 16>, scalar_prefetch = 0 : i64, scratch_operands = 3 : i64, tpu.core_type = #tpu.core_type<sc_vector_subcore>, window_params = [{transform_indices = #map}, {transform_indices = #map1}]} {
    %mul3A = arith.constant 2 : i32
    %mul3A_0 = arith.muli %arg1, %mul3A : i32
    %add3A = arith.addi %mul3A_0, %arg0 : i32
    %broadcast_in_dim3A = arith.constant 0.000000e+00 : f32
    %broadcast_in_dim3A_1 = vector.broadcast %broadcast_in_dim3A : f32 to vector<16xf32>
    %broadcast_in_dim3A_2 = arith.constant 1.000000e+00 : f32
    %broadcast_in_dim3A_3 = vector.broadcast %broadcast_in_dim3A_2 : f32 to vector<16xf32>
    %scan3A = arith.constant 0 : i32
    %scan3A_4 = arith.constant 128 : i32
    %scan3A_5 = arith.addi %scan3A, %scan3A_4 : i32
    %scan3A_6 = arith.constant 1 : i32
    scf.for %scan3A_36 = %scan3A to %scan3A_5 step %scan3A_6  : i32 {
      %mul3A_37 = arith.constant 1 : i32
      %mul3A_38 = arith.muli %scan3A_36, %mul3A_37 : i32
      %add3A_39 = arith.constant 0 : i32
      %add3A_40 = arith.addi %add3A_39, %mul3A_38 : i32
      %swap3A = arith.index_cast %add3A_40 : i32 to index
      %swap3A_41 = arith.constant 0 : index
      %swap3A_42 = tpu.vector_load %arg6[%swap3A, %swap3A_41] {strides = array<i32>} : memref<128x128xf32, #tpu.memory_space<vmem>>, vector<1x16xf32>,
      %swap3A_43 = vector.shape_cast %swap3A_42 : vector<1x16xf32> to vector<16xf32>
      %swap3A_44 = vector.shape_cast %broadcast_in_dim3A_1 : vector<16xf32> to vector<1x16xf32>
      tpu.vector_store %arg6[%swap3A, %swap3A_41], %swap3A_44 {strides = array<i32>} : memref<128x128xf32, #tpu.memory_space<vmem>>, vector<1x16xf32>,
      %swap3A_45 = arith.index_cast %add3A_40 : i32 to index
      %swap3A_46 = arith.constant 16 : index
      %swap3A_47 = tpu.vector_load %arg6[%swap3A_45, %swap3A_46] {strides = array<i32>} : memref<128x128xf32, #tpu.memory_space<vmem>>, vector<1x16xf32>,
      %swap3A_48 = vector.shape_cast %swap3A_47 : vector<1x16xf32> to vector<16xf32>
      %swap3A_49 = vector.shape_cast %broadcast_in_dim3A_1 : vector<16xf32> to vector<1x16xf32>
      tpu.vector_store %arg6[%swap3A_45, %swap3A_46], %swap3A_49 {strides = array<i32>} : memref<128x128xf32, #tpu.memory_space<vmem>>, vector<1x16xf32>,
      %swap3A_50 = arith.index_cast %add3A_40 : i32 to index
      %swap3A_51 = arith.constant 32 : index
      %swap3A_52 = tpu.vector_load %arg6[%swap3A_50, %swap3A_51] {strides = array<i32>} : memref<128x128xf32, #tpu.memory_space<vmem>>, vector<1x16xf32>,
      %swap3A_53 = vector.shape_cast %swap3A_52 : vector<1x16xf32> to vector<16xf32>
      %swap3A_54 = vector.shape_cast %broadcast_in_dim3A_1 : vector<16xf32> to vector<1x16xf32>
      tpu.vector_store %arg6[%swap3A_50, %swap3A_51], %swap3A_54 {strides = array<i32>} : memref<128x128xf32, #tpu.memory_space<vmem>>, vector<1x16xf32>,
      %swap3A_55 = arith.index_cast %add3A_40 : i32 to index
      %swap3A_56 = arith.constant 48 : index
      %swap3A_57 = tpu.vector_load %arg6[%swap3A_55, %swap3A_56] {strides = array<i32>} : memref<128x128xf32, #tpu.memory_space<vmem>>, vector<1x16xf32>,
      %swap3A_58 = vector.shape_cast %swap3A_57 : vector<1x16xf32> to vector<16xf32>
      %swap3A_59 = vector.shape_cast %broadcast_in_dim3A_1 : vector<16xf32> to vector<1x16xf32>
      tpu.vector_store %arg6[%swap3A_55, %swap3A_56], %swap3A_59 {strides = array<i32>} : memref<128x128xf32, #tpu.memory_space<vmem>>, vector<1x16xf32>,
      %swap3A_60 = arith.index_cast %add3A_40 : i32 to index
      %swap3A_61 = arith.constant 64 : index
      %swap3A_62 = tpu.vector_load %arg6[%swap3A_60, %swap3A_61] {strides = array<i32>} : memref<128x128xf32, #tpu.memory_space<vmem>>, vector<1x16xf32>,
      %swap3A_63 = vector.shape_cast %swap3A_62 : vector<1x16xf32> to vector<16xf32>
      %swap3A_64 = vector.shape_cast %broadcast_in_dim3A_1 : vector<16xf32> to vector<1x16xf32>
      tpu.vector_store %arg6[%swap3A_60, %swap3A_61], %swap3A_64 {strides = array<i32>} : memref<128x128xf32, #tpu.memory_space<vmem>>, vector<1x16xf32>,
      %swap3A_65 = arith.index_cast %add3A_40 : i32 to index
      %swap3A_66 = arith.constant 80 : index
      %swap3A_67 = tpu.vector_load %arg6[%swap3A_65, %swap3A_66] {strides = array<i32>} : memref<128x128xf32, #tpu.memory_space<vmem>>, vector<1x16xf32>,
      %swap3A_68 = vector.shape_cast %swap3A_67 : vector<1x16xf32> to vector<16xf32>
      %swap3A_69 = vector.shape_cast %broadcast_in_dim3A_1 : vector<16xf32> to vector<1x16xf32>
      tpu.vector_store %arg6[%swap3A_65, %swap3A_66], %swap3A_69 {strides = array<i32>} : memref<128x128xf32, #tpu.memory_space<vmem>>, vector<1x16xf32>,
      %swap3A_70 = arith.index_cast %add3A_40 : i32 to index
      %swap3A_71 = arith.constant 96 : index
      %swap3A_72 = tpu.vector_load %arg6[%swap3A_70, %swap3A_71] {strides = array<i32>} : memref<128x128xf32, #tpu.memory_space<vmem>>, vector<1x16xf32>,
      %swap3A_73 = vector.shape_cast %swap3A_72 : vector<1x16xf32> to vector<16xf32>
      %swap3A_74 = vector.shape_cast %broadcast_in_dim3A_1 : vector<16xf32> to vector<1x16xf32>
      tpu.vector_store %arg6[%swap3A_70, %swap3A_71], %swap3A_74 {strides = array<i32>} : memref<128x128xf32, #tpu.memory_space<vmem>>, vector<1x16xf32>,
      %swap3A_75 = arith.index_cast %add3A_40 : i32 to index
      %swap3A_76 = arith.constant 112 : index
      %swap3A_77 = tpu.vector_load %arg6[%swap3A_75, %swap3A_76] {strides = array<i32>} : memref<128x128xf32, #tpu.memory_space<vmem>>, vector<1x16xf32>,
      %swap3A_78 = vector.shape_cast %swap3A_77 : vector<1x16xf32> to vector<16xf32>
      %swap3A_79 = vector.shape_cast %broadcast_in_dim3A_1 : vector<16xf32> to vector<1x16xf32>
      tpu.vector_store %arg6[%swap3A_75, %swap3A_76], %swap3A_79 {strides = array<i32>} : memref<128x128xf32, #tpu.memory_space<vmem>>, vector<1x16xf32>,
    }
    %scan3A_7 = arith.constant 128 : i32
    %scan3A_8 = arith.constant 0 : i32
    %scan3A_9 = arith.constant 5 : i32
    %scan3A_10 = arith.addi %scan3A_8, %scan3A_9 : i32
    %scan3A_11 = arith.constant 1 : i32
    scf.for %scan3A_36 = %scan3A_8 to %scan3A_10 step %scan3A_11  : i32 {
      %mul3A_37 = arith.constant 1 : i32
      %mul3A_38 = arith.muli %scan3A_36, %mul3A_37 : i32
      %add3A_39 = arith.constant 0 : i32
      %add3A_40 = arith.addi %add3A_39, %mul3A_38 : i32
      %mul3A_41 = arith.constant 640 : i32
      %mul3A_42 = arith.muli %arg1, %mul3A_41 : i32
      %mul3A_43 = arith.constant 128 : i32
      %mul3A_44 = arith.muli %add3A_40, %mul3A_43 : i32
      %add3A_45 = arith.addi %mul3A_42, %mul3A_44 : i32
      "tpu.region"() ({
        %run_scoped3A = tpu.sem_alloc : memref<!tpu.dma_semaphore, #tpu.memory_space<semaphore_mem>>
        %dma_start3A = arith.constant 0 : i32
        %dma_start3A_46 = tpu.memref_slice %arg4[%add3A_45, %dma_start3A] : memref<10240x128xf32, #tpu.memory_space<vmem_shared>> -> memref<128x128xf32, #tpu.memory_space<vmem_shared>>
        %dma_start3A_47 = arith.constant 0 : i32
        %dma_start3A_48 = tpu.memref_slice %arg4[%add3A_45, %dma_start3A_47] : memref<10240x128xf32, #tpu.memory_space<vmem_shared>> -> memref<128x128xf32, #tpu.memory_space<vmem_shared>>
        tpu.enqueue_dma source(%arg6 : memref<128x128xf32, #tpu.memory_space<vmem>>) target(%dma_start3A_48 : memref<128x128xf32, #tpu.memory_space<vmem_shared>>) target_semaphore(%run_scoped3A : memref<!tpu.dma_semaphore, #tpu.memory_space<semaphore_mem>>)
        %dma_wait3A = arith.constant 0 : i32
        %dma_wait3A_49 = tpu.memref_slice %arg4[%add3A_45, %dma_wait3A] : memref<10240x128xf32, #tpu.memory_space<vmem_shared>> -> memref<128x128xf32, #tpu.memory_space<vmem_shared>>
        %dma_wait3A_50 = arith.constant 0 : i32
        %dma_wait3A_51 = tpu.memref_slice %arg4[%add3A_45, %dma_wait3A_50] : memref<10240x128xf32, #tpu.memory_space<vmem_shared>> -> memref<128x128xf32, #tpu.memory_space<vmem_shared>>
        tpu.wait_dma2 semaphore(%run_scoped3A : memref<!tpu.dma_semaphore, #tpu.memory_space<semaphore_mem>>) src(%arg6 : memref<128x128xf32, #tpu.memory_space<vmem>>) dst(%dma_wait3A_51 : memref<128x128xf32, #tpu.memory_space<vmem_shared>>)
        tpu.yield
      }) : () -> ()
    }
    %scan3A_12 = arith.constant 5 : i32
    %scan3A_13 = arith.constant 0 : i32
    %scan3A_14 = arith.constant 128 : i32
    %scan3A_15 = arith.addi %scan3A_13, %scan3A_14 : i32
    %scan3A_16 = arith.constant 1 : i32
    scf.for %scan3A_36 = %scan3A_13 to %scan3A_15 step %scan3A_16  : i32 {
      %mul3A_37 = arith.constant 1 : i32
      %mul3A_38 = arith.muli %scan3A_36, %mul3A_37 : i32
      %add3A_39 = arith.constant 0 : i32
      %add3A_40 = arith.addi %add3A_39, %mul3A_38 : i32
      %swap3A = arith.index_cast %add3A_40 : i32 to index
      %swap3A_41 = arith.constant 0 : index
      %swap3A_42 = tpu.vector_load %arg6[%swap3A, %swap3A_41] {strides = array<i32>} : memref<128x128xf32, #tpu.memory_space<vmem>>, vector<1x16xf32>,
      %swap3A_43 = vector.shape_cast %swap3A_42 : vector<1x16xf32> to vector<16xf32>
      %swap3A_44 = vector.shape_cast %broadcast_in_dim3A_3 : vector<16xf32> to vector<1x16xf32>
      tpu.vector_store %arg6[%swap3A, %swap3A_41], %swap3A_44 {strides = array<i32>} : memref<128x128xf32, #tpu.memory_space<vmem>>, vector<1x16xf32>,
      %swap3A_45 = arith.index_cast %add3A_40 : i32 to index
      %swap3A_46 = arith.constant 16 : index
      %swap3A_47 = tpu.vector_load %arg6[%swap3A_45, %swap3A_46] {strides = array<i32>} : memref<128x128xf32, #tpu.memory_space<vmem>>, vector<1x16xf32>,
      %swap3A_48 = vector.shape_cast %swap3A_47 : vector<1x16xf32> to vector<16xf32>
      %swap3A_49 = vector.shape_cast %broadcast_in_dim3A_3 : vector<16xf32> to vector<1x16xf32>
      tpu.vector_store %arg6[%swap3A_45, %swap3A_46], %swap3A_49 {strides = array<i32>} : memref<128x128xf32, #tpu.memory_space<vmem>>, vector<1x16xf32>,
      %swap3A_50 = arith.index_cast %add3A_40 : i32 to index
      %swap3A_51 = arith.constant 32 : index
      %swap3A_52 = tpu.vector_load %arg6[%swap3A_50, %swap3A_51] {strides = array<i32>} : memref<128x128xf32, #tpu.memory_space<vmem>>, vector<1x16xf32>,
      %swap3A_53 = vector.shape_cast %swap3A_52 : vector<1x16xf32> to vector<16xf32>
      %swap3A_54 = vector.shape_cast %broadcast_in_dim3A_3 : vector<16xf32> to vector<1x16xf32>
      tpu.vector_store %arg6[%swap3A_50, %swap3A_51], %swap3A_54 {strides = array<i32>} : memref<128x128xf32, #tpu.memory_space<vmem>>, vector<1x16xf32>,
      %swap3A_55 = arith.index_cast %add3A_40 : i32 to index
      %swap3A_56 = arith.constant 48 : index
      %swap3A_57 = tpu.vector_load %arg6[%swap3A_55, %swap3A_56] {strides = array<i32>} : memref<128x128xf32, #tpu.memory_space<vmem>>, vector<1x16xf32>,
      %swap3A_58 = vector.shape_cast %swap3A_57 : vector<1x16xf32> to vector<16xf32>
      %swap3A_59 = vector.shape_cast %broadcast_in_dim3A_3 : vector<16xf32> to vector<1x16xf32>
      tpu.vector_store %arg6[%swap3A_55, %swap3A_56], %swap3A_59 {strides = array<i32>} : memref<128x128xf32, #tpu.memory_space<vmem>>, vector<1x16xf32>,
      %swap3A_60 = arith.index_cast %add3A_40 : i32 to index
      %swap3A_61 = arith.constant 64 : index
      %swap3A_62 = tpu.vector_load %arg6[%swap3A_60, %swap3A_61] {strides = array<i32>} : memref<128x128xf32, #tpu.memory_space<vmem>>, vector<1x16xf32>,
      %swap3A_63 = vector.shape_cast %swap3A_62 : vector<1x16xf32> to vector<16xf32>
      %swap3A_64 = vector.shape_cast %broadcast_in_dim3A_3 : vector<16xf32> to vector<1x16xf32>
      tpu.vector_store %arg6[%swap3A_60, %swap3A_61], %swap3A_64 {strides = array<i32>} : memref<128x128xf32, #tpu.memory_space<vmem>>, vector<1x16xf32>,
      %swap3A_65 = arith.index_cast %add3A_40 : i32 to index
      %swap3A_66 = arith.constant 80 : index
      %swap3A_67 = tpu.vector_load %arg6[%swap3A_65, %swap3A_66] {strides = array<i32>} : memref<128x128xf32, #tpu.memory_space<vmem>>, vector<1x16xf32>,
      %swap3A_68 = vector.shape_cast %swap3A_67 : vector<1x16xf32> to vector<16xf32>
      %swap3A_69 = vector.shape_cast %broadcast_in_dim3A_3 : vector<16xf32> to vector<1x16xf32>
      tpu.vector_store %arg6[%swap3A_65, %swap3A_66], %swap3A_69 {strides = array<i32>} : memref<128x128xf32, #tpu.memory_space<vmem>>, vector<1x16xf32>,
      %swap3A_70 = arith.index_cast %add3A_40 : i32 to index
      %swap3A_71 = arith.constant 96 : index
      %swap3A_72 = tpu.vector_load %arg6[%swap3A_70, %swap3A_71] {strides = array<i32>} : memref<128x128xf32, #tpu.memory_space<vmem>>, vector<1x16xf32>,
      %swap3A_73 = vector.shape_cast %swap3A_72 : vector<1x16xf32> to vector<16xf32>
      %swap3A_74 = vector.shape_cast %broadcast_in_dim3A_3 : vector<16xf32> to vector<1x16xf32>
      tpu.vector_store %arg6[%swap3A_70, %swap3A_71], %swap3A_74 {strides = array<i32>} : memref<128x128xf32, #tpu.memory_space<vmem>>, vector<1x16xf32>,
      %swap3A_75 = arith.index_cast %add3A_40 : i32 to index
      %swap3A_76 = arith.constant 112 : index
      %swap3A_77 = tpu.vector_load %arg6[%swap3A_75, %swap3A_76] {strides = array<i32>} : memref<128x128xf32, #tpu.memory_space<vmem>>, vector<1x16xf32>,
      %swap3A_78 = vector.shape_cast %swap3A_77 : vector<1x16xf32> to vector<16xf32>
      %swap3A_79 = vector.shape_cast %broadcast_in_dim3A_3 : vector<16xf32> to vector<1x16xf32>
      tpu.vector_store %arg6[%swap3A_75, %swap3A_76], %swap3A_79 {strides = array<i32>} : memref<128x128xf32, #tpu.memory_space<vmem>>, vector<1x16xf32>,
    }
    %scan3A_17 = arith.constant 128 : i32
    %barrier3A = arith.constant 0 : index
    tpu.barrier barrier_id(%barrier3A)
    %lt3A = arith.constant 4 : i32
    %lt3A_18 = arith.cmpi slt, %add3A, %lt3A : i32
    %jit3A = arith.constant 1 : i32
    %jit3A_19 = arith.constant 0 : i32
    %select_n3A = arith.select %lt3A_18, %jit3A, %jit3A_19 : i32
    %add3A_20 = arith.constant 78 : i32
    %add3A_21 = arith.addi %add3A_20, %select_n3A : i32
    %while3A = arith.constant 0 : i32
    %while3A_22 = arith.constant 0 : i32
    %while3A_23 = arith.subi %add3A_21, %while3A_22 : i32
    %while3A_24 = arith.addi %while3A_22, %while3A_23 : i32
    %while3A_25 = arith.constant 1 : i32
    %while3A_26 = arith.divsi %while3A_23, %while3A_25 : i32
    %while3A_27 = arith.muli %while3A_26, %while3A_25 : i32
    %while3A_28 = arith.addi %while3A_22, %while3A_27 : i32
    %while3A_29 = arith.constant 1 : i32
    scf.for %while3A_36 = %while3A_22 to %while3A_28 step %while3A_29  : i32 {
      %mul3A_37 = arith.constant 32 : i32
      %mul3A_38 = arith.muli %while3A_36, %mul3A_37 : i32
      %add3A_39 = arith.addi %add3A, %mul3A_38 : i32
      %mul3A_40 = arith.constant 128 : i32
      %mul3A_41 = arith.muli %add3A_39, %mul3A_40 : i32
      "tpu.region"() ({
        %run_scoped3A = tpu.sem_alloc : memref<!tpu.dma_semaphore, #tpu.memory_space<semaphore_mem>>
        %dma_start3A = tpu.memref_slice %arg2[%mul3A_41] : memref<320000xi32, #tpu.memory_space<hbm>> -> memref<128xi32, #tpu.memory_space<hbm>>
        %dma_start3A_42 = tpu.memref_slice %arg2[%mul3A_41] : memref<320000xi32, #tpu.memory_space<hbm>> -> memref<128xi32, #tpu.memory_space<hbm>>
        tpu.enqueue_dma source(%dma_start3A_42 : memref<128xi32, #tpu.memory_space<hbm>>) target(%arg5 : memref<128xi32, #tpu.memory_space<vmem>>) target_semaphore(%run_scoped3A : memref<!tpu.dma_semaphore, #tpu.memory_space<semaphore_mem>>)
        %dma_wait3A = tpu.memref_slice %arg2[%mul3A_41] : memref<320000xi32, #tpu.memory_space<hbm>> -> memref<128xi32, #tpu.memory_space<hbm>>
        %dma_wait3A_43 = tpu.memref_slice %arg2[%mul3A_41] : memref<320000xi32, #tpu.memory_space<hbm>> -> memref<128xi32, #tpu.memory_space<hbm>>
        tpu.wait_dma2 semaphore(%run_scoped3A : memref<!tpu.dma_semaphore, #tpu.memory_space<semaphore_mem>>) src(%dma_wait3A_43 : memref<128xi32, #tpu.memory_space<hbm>>) dst(%arg5 : memref<128xi32, #tpu.memory_space<vmem>>)
        tpu.yield
      }) : () -> ()
      "tpu.region"() ({
        %run_scoped3A = tpu.sem_alloc : memref<!tpu.dma_semaphore, #tpu.memory_space<semaphore_mem>>
        %dma_start3A = arith.constant 0 : i32
        %dma_start3A_42 = arith.constant 0 : i32
        %dma_start3A_43 = tpu.memref_slice %arg4[%dma_start3A, %dma_start3A_42] : memref<10240x128xf32, #tpu.memory_space<vmem_shared>> -> memref<10240x128xf32, #tpu.memory_space<vmem_shared>>
        tpu.enqueue_indirect_dma source(%arg6 : memref<128x128xf32, #tpu.memory_space<vmem>>) target(%dma_start3A_43 : memref<10240x128xf32, #tpu.memory_space<vmem_shared>>) offsets(%arg5 : memref<128xi32, #tpu.memory_space<vmem>>) semaphore(%run_scoped3A : memref<!tpu.dma_semaphore, #tpu.memory_space<semaphore_mem>>) {add = true}
        %dma_wait3A = arith.constant 0 : i32
        %dma_wait3A_44 = arith.constant 0 : i32
        %dma_wait3A_45 = tpu.memref_slice %arg4[%dma_wait3A, %dma_wait3A_44] : memref<10240x128xf32, #tpu.memory_space<vmem_shared>> -> memref<10240x128xf32, #tpu.memory_space<vmem_shared>>
        tpu.wait_indirect_dma semaphore(%run_scoped3A : memref<!tpu.dma_semaphore, #tpu.memory_space<semaphore_mem>>) src(%arg6 : memref<128x128xf32, #tpu.memory_space<vmem>>) dst(%dma_wait3A_45 : memref<10240x128xf32, #tpu.memory_space<vmem_shared>>)
        tpu.yield
      }) : () -> ()
    }
    %while3A_30 = arith.constant 1 : i32
    scf.for %while3A_36 = %while3A_28 to %while3A_24 step %while3A_30  : i32 {
      %mul3A_37 = arith.constant 32 : i32
      %mul3A_38 = arith.muli %while3A_36, %mul3A_37 : i32
      %add3A_39 = arith.addi %add3A, %mul3A_38 : i32
      %mul3A_40 = arith.constant 128 : i32
      %mul3A_41 = arith.muli %add3A_39, %mul3A_40 : i32
      "tpu.region"() ({
        %run_scoped3A = tpu.sem_alloc : memref<!tpu.dma_semaphore, #tpu.memory_space<semaphore_mem>>
        %dma_start3A = tpu.memref_slice %arg2[%mul3A_41] : memref<320000xi32, #tpu.memory_space<hbm>> -> memref<128xi32, #tpu.memory_space<hbm>>
        %dma_start3A_42 = tpu.memref_slice %arg2[%mul3A_41] : memref<320000xi32, #tpu.memory_space<hbm>> -> memref<128xi32, #tpu.memory_space<hbm>>
        tpu.enqueue_dma source(%dma_start3A_42 : memref<128xi32, #tpu.memory_space<hbm>>) target(%arg5 : memref<128xi32, #tpu.memory_space<vmem>>) target_semaphore(%run_scoped3A : memref<!tpu.dma_semaphore, #tpu.memory_space<semaphore_mem>>)
        %dma_wait3A = tpu.memref_slice %arg2[%mul3A_41] : memref<320000xi32, #tpu.memory_space<hbm>> -> memref<128xi32, #tpu.memory_space<hbm>>
        %dma_wait3A_43 = tpu.memref_slice %arg2[%mul3A_41] : memref<320000xi32, #tpu.memory_space<hbm>> -> memref<128xi32, #tpu.memory_space<hbm>>
        tpu.wait_dma2 semaphore(%run_scoped3A : memref<!tpu.dma_semaphore, #tpu.memory_space<semaphore_mem>>) src(%dma_wait3A_43 : memref<128xi32, #tpu.memory_space<hbm>>) dst(%arg5 : memref<128xi32, #tpu.memory_space<vmem>>)
        tpu.yield
      }) : () -> ()
      "tpu.region"() ({
        %run_scoped3A = tpu.sem_alloc : memref<!tpu.dma_semaphore, #tpu.memory_space<semaphore_mem>>
        %dma_start3A = arith.constant 0 : i32
        %dma_start3A_42 = arith.constant 0 : i32
        %dma_start3A_43 = tpu.memref_slice %arg4[%dma_start3A, %dma_start3A_42] : memref<10240x128xf32, #tpu.memory_space<vmem_shared>> -> memref<10240x128xf32, #tpu.memory_space<vmem_shared>>
        tpu.enqueue_indirect_dma source(%arg6 : memref<128x128xf32, #tpu.memory_space<vmem>>) target(%dma_start3A_43 : memref<10240x128xf32, #tpu.memory_space<vmem_shared>>) offsets(%arg5 : memref<128xi32, #tpu.memory_space<vmem>>) semaphore(%run_scoped3A : memref<!tpu.dma_semaphore, #tpu.memory_space<semaphore_mem>>) {add = true}
        %dma_wait3A = arith.constant 0 : i32
        %dma_wait3A_44 = arith.constant 0 : i32
        %dma_wait3A_45 = tpu.memref_slice %arg4[%dma_wait3A, %dma_wait3A_44] : memref<10240x128xf32, #tpu.memory_space<vmem_shared>> -> memref<10240x128xf32, #tpu.memory_space<vmem_shared>>
        tpu.wait_indirect_dma semaphore(%run_scoped3A : memref<!tpu.dma_semaphore, #tpu.memory_space<semaphore_mem>>) src(%arg6 : memref<128x128xf32, #tpu.memory_space<vmem>>) dst(%dma_wait3A_45 : memref<10240x128xf32, #tpu.memory_space<vmem_shared>>)
        tpu.yield
      }) : () -> ()
    }
    %barrier3A_31 = arith.constant 0 : index
    tpu.barrier barrier_id(%barrier3A_31)
    %mul3A_32 = arith.constant 640 : i32
    %mul3A_33 = arith.muli %arg1, %mul3A_32 : i32
    %mul3A_34 = arith.constant 640 : i32
    %mul3A_35 = arith.muli %arg1, %mul3A_34 : i32
    "tpu.region"() ({
      %run_scoped3A = tpu.sem_alloc : memref<!tpu.dma_semaphore, #tpu.memory_space<semaphore_mem>>
      %dma_start3A = arith.constant 0 : i32
      %dma_start3A_36 = tpu.memref_slice %arg3[%arg0, %mul3A_35, %dma_start3A] : memref<2x10240x128xf32, #tpu.memory_space<hbm>> -> memref<1x640x128xf32, #tpu.memory_space<hbm>>
      %dma_start3A_37 = tpu.memref_squeeze %dma_start3A_36 : memref<1x640x128xf32, #tpu.memory_space<hbm>> -> memref<640x128xf32, #tpu.memory_space<hbm>>
      %dma_start3A_38 = arith.constant 0 : i32
      %dma_start3A_39 = tpu.memref_slice %arg4[%mul3A_33, %dma_start3A_38] : memref<10240x128xf32, #tpu.memory_space<vmem_shared>> -> memref<640x128xf32, #tpu.memory_space<vmem_shared>>
      tpu.enqueue_dma source(%dma_start3A_39 : memref<640x128xf32, #tpu.memory_space<vmem_shared>>) target(%dma_start3A_37 : memref<640x128xf32, #tpu.memory_space<hbm>>) target_semaphore(%run_scoped3A : memref<!tpu.dma_semaphore, #tpu.memory_space<semaphore_mem>>)
      %dma_wait3A = arith.constant 0 : i32
      %dma_wait3A_40 = tpu.memref_slice %arg3[%arg0, %mul3A_35, %dma_wait3A] : memref<2x10240x128xf32, #tpu.memory_space<hbm>> -> memref<1x640x128xf32, #tpu.memory_space<hbm>>
      %dma_wait3A_41 = tpu.memref_squeeze %dma_wait3A_40 : memref<1x640x128xf32, #tpu.memory_space<hbm>> -> memref<640x128xf32, #tpu.memory_space<hbm>>
      %dma_wait3A_42 = arith.constant 0 : i32
      %dma_wait3A_43 = tpu.memref_slice %arg4[%mul3A_33, %dma_wait3A_42] : memref<10240x128xf32, #tpu.memory_space<vmem_shared>> -> memref<640x128xf32, #tpu.memory_space<vmem_shared>>
      tpu.wait_dma2 semaphore(%run_scoped3A : memref<!tpu.dma_semaphore, #tpu.memory_space<semaphore_mem>>) src(%dma_wait3A_43 : memref<640x128xf32, #tpu.memory_space<vmem_shared>>) dst(%dma_wait3A_41 : memref<640x128xf32, #tpu.memory_space<hbm>>)
      tpu.yield
    }) : () -> ()
    return
  }
}

</mosaic_0001>

<sc_bundles>
// kernel: _sc_cnt.3.cloned.1.call-start
scs
__scs_entry_jumppad:
0x0: {  	(pc) =	sbr.rel $0x88, $3  }
0x1: {  	(tag) =	ssettag $0x0;
	lr =	simm.s32 $0x1  }
0x2: {  	[smem:$0x3FA0] =	sst lr;
	_ =	strace $0xD0000000  }
0x3: {  	_ = 	snop  }
0x4: {  	_ = 	snop  }
0x5: {  	_ = 	snop  }
0x6: {  	_ = 	snop  }
0x7: {  	_ = 	snop  }
__scs_overlays_trampoline_lowered:
0x8: {  	[smem:$0x3FAF] =	sst s0  }
0x9: {  	[smem:$0x3FB0] =	sst s1  }
0xa: {  	[smem:$0x3FB1] =	sst s2  }
0xb: {  	[smem:$0x3FB2] =	sst s3  }
0xc: {  	[smem:$0x3FB3] =	sst s4  }
0xd: {  	[smem:$0x3FB4] =	sst s5  }
0xe: {  	[smem:$0x3FB5] =	sst s6  }
0xf: {  	[smem:$0x3FB6] =	sst s7  }
0x10: {  	[smem:$0x3FB7] =	sst s8  }
0x11: {  	[smem:$0x3FB8] =	sst s9;
	s0 =	simm.s32 @!p0 $0x0  }
0x12: {  	s1 =	sld [smem:$0x3F9E];
	s0 =	simm.s32 @p0 $0x1  }
0x13: {  	[smem:$0x3FB9] =	sst s0;
	s0 =	simm.s32 @!p1 $0x0  }
0x14: {  	s2 =	sld [smem:$0x3F9D];
	s0 =	simm.s32 @p1 $0x1  }
0x15: {  	[smem:$0x3FBA] =	sst s0;
	s0 =	simm.s32 @!p2 $0x0  }
0x16: {  	s3 =	sld [smem:$0x3FDB];
	s0 =	simm.s32 @p2 $0x1  }
0x17: {  	s4 =	simm.s32 $0x1BF5;
	[smem:$0x3FBC] =	sst s0  }
0x18: {  	s0 =	sld [smem:$0x3F9F];
	_ =	swait.ge [sflag:s4], $0x0  }
0x19: {  	s7 =	sld [smem:$0x3FA0]  }
0x1a: {  	s8 =	sadd.s32 $0xFFFFE003, lr  }
0x1b: {  	s9 =	sadd.s32 $0xFFFFFEF7, lr;
	s5 =	simm.s32 $0xFFFFFFFF;
	p2 =	slt.u32 s8, $0xFFFFF086  }
0x1c: {  	p1 =	slt.u32 s9, $0xF7A;
	s5 =	simm.s32 @!p2 $0x0  }
0x1d: {  	s5 =	simm.s32 @p1 $0x1;
	p0 =	seq.s32 s7, s2  }
0x1e: {  	s7 =	smul.u32 @!p0 $0xF7A, s2;
	p2 =	seq.s32 @!p0 s5, $0x0  }
0x1f: {  	s9 =	smul.u32 $0xF7A, s1;
	s8 =	simm.s32 @!p0 $0x1BF5;
	p2 =	por !p2, p0  }
0x20: {  	[sflag:s8] =	ssyncset.s32 @!p0 $0xFFFFF086;
	s6 =	sadd.s32 @!p0 s3, s7;
	s7 =	simm.s32 @!p0 $0x108  }
0x21: {  	s3 =	sadd.s32 s3, s9;
	s6 =	sadd.s32 @!p0 $0x88, s6;
	s7 =	simm.s32 @p2 $0x1082  }
0x22: {  	[simem:s7], [sflag:s8] =	dma.local @!p0 [hbm:s6], $0xF7A  }
0x23: {  	s9 =	sor.u32 $0xD0000000, s2;
	s6 =	simm.s32 $0x108;
	_ =	swait.ge @!p0 [sflag:s8], $0x0  }
0x24: {  	s3 =	sadd.s32 $0x88, s3;
	s6 =	simm.s32 @!p1 $0x1082;
	[sflag:s4] =	ssyncset.s32 $0xFFFFF086  }
0x25: {  	[simem:s6], [sflag:s4] =	dma.local [hbm:s3], $0xF7A  }
0x26: {  	[smem:$0x3FA0] =	sst s1;
	(tag) =	ssettag s2;
	_ =	strace s9  }
0x27: {  	s1 =	sld [smem:$0x3FB0]  }
0x28: {  	s2 =	sld [smem:$0x3FB1]  }
0x29: {  	s4 =	sld [smem:$0x3FB3]  }
0x2a: {  	p0 =	seq.s32 s5, $0x0;
	s5 =	sld [smem:$0x3FB4]  }
0x2b: {  	s6 =	sld [smem:$0x3FB5]  }
0x2c: {  	s7 =	sld [smem:$0x3FB6]  }
0x2d: {  	s3 =	simm.s32 $0x108;
	s8 =	sld [smem:$0x3FB7]  }
0x2e: {  	s3 =	simm.s32 @!p0 $0x1082;
	s9 =	sld [smem:$0x3FB8]  }
0x2f: {  	lr =	sadd.s32 s0, s3;
	s0 =	sld [smem:$0x3FAF]  }
0x30: {  	s3 =	sld [smem:$0x3FB2]  }
0x31: {  	[smem:$0x3FBB] =	sst s10  }
0x32: {  	s10 =	sld [smem:$0x3FB9];
	_ =	sdelay $0x3  }
0x33: {  	p0 =	seq.s32 s10, $0x1;
	s10 =	sld [smem:$0x3FBB];
	_ =	sdelay $0x3  }
0x34: {  	[smem:$0x3FBB] =	sst s10  }
0x35: {  	s10 =	sld [smem:$0x3FBA];
	_ =	sdelay $0x3  }
0x36: {  	p1 =	seq.s32 s10, $0x1;
	s10 =	sld [smem:$0x3FBB];
	_ =	sdelay $0x3  }
0x37: {  	[smem:$0x3FBB] =	sst s10  }
0x38: {  	s10 =	sld [smem:$0x3FBC]  }
0x39: {  	_ = 	snop;
	(pc) =	sbr.ind lr, $3  }
0x3a: {  	_ = 	snop  }
0x3b: {  	_ = 	snop  }
0x3c: {  	p2 =	seq.s32 s10, $0x1;
	s10 =	sld [smem:$0x3FBB]  }
0x3d: {  	_ =	shalt  }
0x3e: {  	_ =	shalt  }
0x3f: {  	_ =	shalt  }
0x40: {  	_ =	shalt  }
0x41: {  	_ =	shalt  }
0x42: {  	_ =	shalt  }
0x43: {  	_ =	shalt  }
0x44: {  	_ =	shalt  }
0x45: {  	_ =	shalt  }
0x46: {  	_ =	shalt  }
0x47: {  	_ =	shalt  }
0x48: {  	_ =	shalt  }
0x49: {  	_ =	shalt  }
0x4a: {  	_ =	shalt  }
0x4b: {  	_ =	shalt  }
0x4c: {  	_ =	shalt  }
0x4d: {  	_ =	shalt  }
0x4e: {  	_ =	shalt  }
0x4f: {  	_ =	shalt  }
0x50: {  	_ =	shalt  }
0x51: {  	_ =	shalt  }
0x52: {  	_ =	shalt  }
0x53: {  	_ =	shalt  }
0x54: {  	_ =	shalt  }
0x55: {  	_ =	shalt  }
0x56: {  	_ =	shalt  }
0x57: {  	_ =	shalt  }
0x58: {  	_ =	shalt  }
0x59: {  	_ =	shalt  }
0x5a: {  	_ =	shalt  }
0x5b: {  	_ =	shalt  }
0x5c: {  	_ =	shalt  }
0x5d: {  	_ =	shalt  }
0x5e: {  	_ =	shalt  }
0x5f: {  	_ =	shalt  }
0x60: {  	_ =	shalt  }
0x61: {  	_ =	shalt  }
0x62: {  	_ =	shalt  }
0x63: {  	_ =	shalt  }
0x64: {  	_ =	shalt  }
0x65: {  	_ =	shalt  }
0x66: {  	_ =	shalt  }
0x67: {  	_ =	shalt  }
0x68: {  	_ =	shalt  }
0x69: {  	_ =	shalt  }
0x6a: {  	_ =	shalt  }
0x6b: {  	_ =	shalt  }
0x6c: {  	_ =	shalt  }
0x6d: {  	_ =	shalt  }
0x6e: {  	_ =	shalt  }
0x6f: {  	_ =	shalt  }
0x70: {  	_ =	shalt  }
0x71: {  	_ =	shalt  }
0x72: {  	_ =	shalt  }
0x73: {  	_ =	shalt  }
0x74: {  	_ =	shalt  }
0x75: {  	_ =	shalt  }
0x76: {  	_ =	shalt  }
0x77: {  	_ =	shalt  }
0x78: {  	_ =	shalt  }
0x79: {  	_ =	shalt  }
0x7a: {  	_ =	shalt  }
0x7b: {  	_ =	shalt  }
0x7c: {  	_ =	shalt  }
0x7d: {  	_ =	shalt  }
0x7e: {  	_ =	shalt  }
0x7f: {  	_ =	shalt  }
0x80: {  	_ =	shalt  }
0x81: {  	_ =	shalt  }
0x82: {  	_ =	shalt  }
0x83: {  	_ =	shalt  }
0x84: {  	_ =	shalt  }
0x85: {  	_ =	shalt  }
0x86: {  	_ =	shalt  }
0x87: {  	_ =	shalt  }
.Lfunc_end0:
.L_simem_size_0:
called_computation_lowered:
.L_overlay_start_0:
0x88: {  	s2 =	sld [smem:$0x3FD9]  }
0x89: {  	s3 =	sld [smem:$0x3FFE];
	_ =	sdelay $0x1  }
0x8a: {  	s1 =	srdreg.scid  }
0x8b: {  	s0 =	sand.u32 $0x1, s1  }
0x8c: {  	s18 =	sshll.u32 s0, $0xA;
	s2 =	sadd.s32 s3, s2  }
0x8d: {  	s2 =	sadd.s32 s2, s18  }
0x8e: {  	[smem:$0x3FC7] =	sst s2  }
0x8f: {  	_ = 	snop  }
0x90: {  	s2 =	sld [smem:$0x3FC9]  }
0x91: {  	s19 =	sld [smem:$0x3FD0];
	(tm) =	ssettm $0x1  }
0x92: {  	s4 =	sld [smem:$0x3FFB];
	_ =	sdelay $0x3  }
0x93: {  	_ =	strace s4  }
0x94: {  	s4 =	sld [smem:$0x3FFC];
	_ =	sdelay $0x3  }
0x95: {  	_ =	strace s4  }
0x96: {  	s4 =	sld [smem:$0x3FFD];
	_ =	sdelay $0x3  }
0x97: {  	_ =	strace s4  }
0x98: {  	_ =	strace $0x8FFFFFFF  }
0x99: {  	s20 =	sld [smem:$0x3FDB];
	_ =	sdelay $0x1  }
0x9a: {  	s5 =	simm.s32 $_scs_section_size  }
0x9b: {  	s6 =	simm.s32 $_size__tile_overlayer_lowered;
	s7 =	simm.s32 $_tile_overlayer_lowered  }
0x9c: {  	s23 =	simm.s32 $0x1BFF;
	s22 =	sshll.u32 s7, $0x1;
	s4 =	sadd.s32 s5, s20  }
0x9d: {  	s8 =	simm.s32 $0x0;
	s21 =	sshll.u32 s6, $0x1;
	s6 =	sadd.s32 s22, s4  }
0x9e: {  	[timem:s8], [sflag:s23] =	dma.local [hbm:s6], s21  }
0x9f: {  	_ =	swait.ge [sflag:s23], s21  }
0xa0: {  	s5 =	ssub.s32 $0x0, s21;
	[sflag:s23] =	ssyncset.done $0x0  }
0xa1: {  	[sflag:s23] =	ssyncadd.s32 s5;
	_ =	sdelay $0x1  }
0xa2: {  	s24 =	simm.s32 $0x1B8B  }
0xa3: {  	_ =	swait.ge [sflag:s24], $0x1  }
0xa4: {  	[sflag:s24] =	ssyncset.done $0x0  }
0xa5: {  	s25 =	simm.s32 $0x1B8E;
	[sflag:s24] =	ssyncadd.s32 $0xFFFFFFFF  }
0xa6: {  	s26 =	simm.s32 $execute0_lowered;
	[smem:$0x3FD2] =	sst s25  }
0xa7: {  	s5 =	sshll.u32 s26, $0x1;
	_ =	strace $0x80000046;
	[dreg:$0x1] =	wrdreg $0xFFFFFFFF  }
0xa8: {  	s28 =	simm.s32 $_size_execute0_lowered;
	s4 =	sadd.s32 s4, s5;
	[dreg:$0x0] =	wrdreg $0x0  }
0xa9: {  	s5 =	sshll.u32 s28, $0x1;
	[dreg:$0x2] =	wrdreg s4  }
0xaa: {  	[dreg:$0x3] =	wrdreg s5  }
0xab: {  	[dreg:$0x4] =	wrdreg $0xC0  }
0xac: {  	_ =	task [dreg:s8], $0x5FFFF  }
0xad: {  	[dreg:$0x1] =	wrdreg $0xFFFFFFFF  }
0xae: {  	[dreg:$0x0] =	wrdreg $0x60  }
0xaf: {  	[dreg:$0x2] =	wrdreg s2  }
0xb0: {  	[dreg:$0x3] =	wrdreg s19  }
0xb1: {  	[dreg:$0x4] =	wrdreg $0x0  }
0xb2: {  	[dreg:$0x5] =	wrdreg $0x9  }
0xb3: {  	_ =	task.clear_ibuf [dreg:s8], $0x6FFFF;
	_ =	strace $0x90000046  }
0xb4: {  	s29 =	simm.s32 $0x9;
	_ =	strace $0x80000048  }
0xb5: {  	_ =	swait.ge [sflag:s29], $0x1  }
0xb6: {  	[sflag:s29] =	ssyncadd.s32 $0xFFFFFFFF  }
0xb7: {  	_ =	strace $0x90000048  }
0xb8: {  	_ =	sfence  }
0xb9: {  	s30 =	sld [smem:$0x0];
	_ =	sdelay $0x2  }
0xba: {  	s31 =	sshll.u32 s1, $0xD;
	s1 =	sshrl.u32 s1, $0x2  }
0xbb: {  	s3 =	sand.u32 $0x4000, s31;
	s1 =	sadd.s32 s1, s30  }
0xbc: {  	s0 =	sor.u32 s3, s0;
	s1 =	sshll.u32 s1, $0x11  }
0xbd: {  	s0 =	sor.u32 s1, s0  }
0xbe: {  	s0 =	sadd.s32 $0x8F2B, s0  }
0xbf: {  	[sflag:s0] =	ssyncadd.remote.s32 $0x1  }
0xc0: {  	_ =	sfence.sel $0xFFFF  }
0xc1: {  	[dreg:$0x0] =	wrdreg $0xFFFFFFFF;
	(pc) =	sbr.abs _section_cstart, $3  }
0xc2: {  	[dreg:$0x1] =	wrdreg $0xFFFFFFFF  }
0xc3: {  	_ =	task.clear_ibuf [dreg:s8], $0x2FFFF;
	_ =	strace $0x9FFFFFFF  }
0xc4: {  	(tm) =	ssettm $0x7FFFFFFF  }
0xc5: {  	_ =	shalt  }
tec
execute0_lowered:
.L_overlay_start_1:
0x0: {  	(tag) =	ssettag $0x1  }
0x1: {  	s12 =	rddreg [dreg:$0x0]  }
0x2: {  	s6 =	rddreg [dreg:$0x1]  }
0x3: {  	s2 =	rddreg [dreg:$0x2]  }
0x4: {  	s0 =	rddreg [dreg:$0x3]  }
0x5: {  	s4 =	srdreg.scid;
	s1 =	stileid.u32  }
0x6: {  	s3 =	simm.s32 $0x0;
	s14 =	simm.s32 $0x1;
	s15 =	simm.s32 $0x14000  }
0x7: {  	s16 =	simm.s32 $0x80;
	s19 =	simm.s32 $0x0;
	s30 =	smul.u32 $0x50000, s1  }
0x8: {  	s7 =	sand.u32 $0x1, s4;
	[smem:$0x7FF] =	sst s3;
	s10 =	smul.u32 $0x14000, s1  }
0x9: {  	p0 =	slt.u32 s1, $0x2;
	s31 =	sshll.u32 s1, $0x8;
	s17 =	sshll.u32 s1, $0x6  }
0xa: {  	s5 =	ssub.s32 $0x2, s7;
	s8 =	smul.u32 $0x140000, s7;
	_ =	strace $0x80000047  }
0xb: {  	s11 =	sshll.u32 s7, $0x7;
	s17 =	sor.u32 $0x1C01, s17;
	s9 =	sshrl.u32 s5, $0x1  }
0xc: {  	s4 =	sshrl.u32 s30, $0x2;
	s13 =	sor.u32 s11, s31;
	s9 =	ssub.s32 s5, s9  }
0xd: {  	s4 =	sadd.s32 s4, s2;
	s5 =	simm.s32 $0x4F;
	s8 =	sadd.s32 s10, s8  }
0xe: {  	s13 =	sshrl.u32 s13, $0x3;
	s5 =	simm.s32 @!p0 $0x4E;
	s8 =	sshrl.u32 s8, $0x3  }
0xf: {  	s7 =	smax.u32 s9, $0x1;
	s9 =	sadd.s32 $0x8000, s4;
	s10 =	sadd.s32 $0xC000, s4  }
0x10: {  	s11 =	sadd.s32 $0x10000, s4;
	s12 =	sadd.s32 s13, s12;
	s13 =	simm.s32 $0x14080  }
0x11: {  	v0 =	vimm.f32 $0.0e+00;
	v1 =	vimm.f32 $1.000000000e+00;
	s18 =	sshrl.u32 s4, $0x3;
	s6 =	sadd.s32 s6, s8;
	s8 =	sadd.s32 $0x4000, s4  }
.LBB2_1:
0x12: {  	s20 =	simm.s32 $0x0;
	s21 =	simm.s32 $0x200  }
.LBB2_2:
0x13: {  	p0 =	sne.s32 s21, $0xFE00;
	[tilespmem:s20+$0x140F0] =	vst v0  }
0x14: {  	[tilespmem:s20+$0x14080] =	vst v0  }
0x15: {  	[tilespmem:s20+$0x14090] =	vst v0  }
.Ltmp0:
0x16: {  	[tilespmem:s20+$0x140A0] =	vst v0;
	(pc) =	sbr.rel @p0 .LBB2_2-.Ltmp0, $4  }
0x17: {  	[tilespmem:s20+$0x140B0] =	vst v0  }
0x18: {  	[tilespmem:s20+$0x140C0] =	vst v0  }
0x19: {  	[tilespmem:s20+$0x140D0] =	vst v0  }
0x1a: {  	[tilespmem:s20+$0x140E0] =	vst v0;
	s20 =	sshra.s32 s21, $0x2;
	s21 =	sadd.s32 $0x200, s21  }
0x1b: {  	[tilespmem:s20+$0x140F0] =	vst v0  }
0x1c: {  	[tilespmem:s20+$0x14080] =	vst v0  }
0x1d: {  	[tilespmem:s20+$0x14090] =	vst v0  }
0x1e: {  	[tilespmem:s20+$0x140A0] =	vst v0  }
0x1f: {  	[tilespmem:s20+$0x140B0] =	vst v0  }
0x20: {  	[tilespmem:s20+$0x140C0] =	vst v0  }
0x21: {  	[tilespmem:s20+$0x140D0] =	vst v0  }
0x22: {  	[tilespmem:s20+$0x140E0] =	vst v0  }
0x23: {  	[spmem:s4] =	stream.linear.scatter [tilespmem:s13], [sflag:$0x1], $0x4000, $0x38;
	[tilespmem:$0x18080] =	vst v63  }
0x24: {  	_ =	swait.ge [sflag:s14], $0x4000  }
0x25: {  	[sflag:s14] =	ssyncset.done $0x0  }
0x26: {  	[sflag:s14] =	ssyncadd.s32 $0xFFFFC000  }
0x27: {  	[spmem:s8] =	stream.linear.scatter [tilespmem:s13], [sflag:$0x1], $0x4000, $0x38;
	[tilespmem:$0x18080] =	vst v63  }
0x28: {  	_ =	swait.ge [sflag:s14], $0x4000  }
0x29: {  	[sflag:s14] =	ssyncset.done $0x0  }
0x2a: {  	[sflag:s14] =	ssyncadd.s32 $0xFFFFC000  }
0x2b: {  	[spmem:s9] =	stream.linear.scatter [tilespmem:s13], [sflag:$0x1], $0x4000, $0x38;
	[tilespmem:$0x18080] =	vst v63  }
0x2c: {  	_ =	swait.ge [sflag:s14], $0x4000  }
0x2d: {  	[sflag:s14] =	ssyncset.done $0x0  }
0x2e: {  	[sflag:s14] =	ssyncadd.s32 $0xFFFFC000  }
0x2f: {  	[spmem:s10] =	stream.linear.scatter [tilespmem:s13], [sflag:$0x1], $0x4000, $0x38;
	[tilespmem:$0x18080] =	vst v63  }
0x30: {  	_ =	swait.ge [sflag:s14], $0x4000  }
0x31: {  	[sflag:s14] =	ssyncset.done $0x0  }
0x32: {  	[sflag:s14] =	ssyncadd.s32 $0xFFFFC000  }
0x33: {  	[spmem:s11] =	stream.linear.scatter [tilespmem:s13], [sflag:$0x1], $0x4000, $0x38;
	[tilespmem:$0x18080] =	vst v63  }
0x34: {  	_ =	swait.ge [sflag:s14], $0x4000  }
0x35: {  	[sflag:s14] =	ssyncset.done $0x0  }
0x36: {  	s20 =	simm.s32 $0x0;
	s21 =	simm.s32 $0x200;
	[sflag:s14] =	ssyncadd.s32 $0xFFFFC000  }
.LBB2_4:
0x37: {  	p0 =	sne.s32 s21, $0xFE00;
	[tilespmem:s20+$0x140F0] =	vst v1  }
0x38: {  	[tilespmem:s20+$0x14080] =	vst v1  }
0x39: {  	[tilespmem:s20+$0x14090] =	vst v1  }
.Ltmp1:
0x3a: {  	[tilespmem:s20+$0x140A0] =	vst v1;
	(pc) =	sbr.rel @p0 .LBB2_4-.Ltmp1, $4  }
0x3b: {  	[tilespmem:s20+$0x140B0] =	vst v1  }
0x3c: {  	[tilespmem:s20+$0x140C0] =	vst v1  }
0x3d: {  	[tilespmem:s20+$0x140D0] =	vst v1  }
0x3e: {  	[tilespmem:s20+$0x140E0] =	vst v1;
	s20 =	sshra.s32 s21, $0x2;
	s21 =	sadd.s32 $0x200, s21  }
0x3f: {  	[tilespmem:s20+$0x140F0] =	vst v1  }
0x40: {  	[tilespmem:s20+$0x14080] =	vst v1  }
0x41: {  	[tilespmem:s20+$0x14090] =	vst v1  }
0x42: {  	[tilespmem:s20+$0x140A0] =	vst v1  }
0x43: {  	[tilespmem:s20+$0x140B0] =	vst v1  }
0x44: {  	[tilespmem:s20+$0x140C0] =	vst v1  }
0x45: {  	[tilespmem:s20+$0x140D0] =	vst v1  }
0x46: {  	[tilespmem:s20+$0x140E0] =	vst v1  }
0x47: {  	[bflag:$0x0] =	sbarrier.arrive $0xFFFF  }
0x48: {  	[tilespmem:s15], [sflag:$0x1] =	stream.linear.gather [hbm4b:s12+s3], $0x80, $0x38;
	[tilespmem:$0x18080] =	vst v63  }
0x49: {  	p0 =	sne.s32 s5, $0x1;
	_ =	swait.ge [sflag:s14], $0x80  }
.Ltmp2:
0x4a: {  	[sflag:s14] =	ssyncset.done $0x0;
	(pc) =	sbr.rel @!p0 .LBB2_7-.Ltmp2, $4  }
0x4b: {  	[sflag:s14] =	ssyncadd.s32 $0xFFFFFF80  }
0x4c: {  	[spmem:s2] =	stream.indirect.scatter.add.f32 [tilespmem:s13], [sflag:$0x1], $0x80, s15, s16, $0xb8;
	[tilespmem:$0x18080] =	vst v63  }
0x4d: {  	_ =	swait.ge [sflag:s14], $0x4000  }
0x4e: {  	s20 =	sadd.s32 $0xFFFFFFFF, s5;
	s21 =	smov.u32 s12;
	[sflag:s14] =	ssyncset.done $0x0  }
.LBB2_6:
0x4f: {  	p0 =	sne.s32 s20, $0x1;
	[sflag:s14] =	ssyncadd.s32 $0xFFFFC000;
	s21 =	sadd.s32 $0x200, s21  }
0x50: {  	[tilespmem:s15], [sflag:$0x1] =	stream.linear.gather [hbm4b:s21+s3], $0x80, $0x38;
	[tilespmem:$0x18080] =	vst v63  }
0x51: {  	s20 =	sadd.s32 $0xFFFFFFFF, s20;
	_ =	swait.ge [sflag:s14], $0x80  }
.Ltmp3:
0x52: {  	[sflag:s14] =	ssyncset.done $0x0;
	(pc) =	sbr.rel @p0 .LBB2_6-.Ltmp3, $4  }
0x53: {  	[sflag:s14] =	ssyncadd.s32 $0xFFFFFF80  }
0x54: {  	[spmem:s2] =	stream.indirect.scatter.add.f32 [tilespmem:s13], [sflag:$0x1], $0x80, s15, s16, $0xb8;
	[tilespmem:$0x18080] =	vst v63  }
0x55: {  	_ =	swait.ge [sflag:s14], $0x4000  }
0x56: {  	[sflag:s14] =	ssyncset.done $0x0  }
.LBB2_7:
0x57: {  	s19 =	sadd.s32 $0x1, s19  }
0x58: {  	[sflag:s14] =	ssyncadd.s32 $0xFFFFC000;
	p0 =	sne.s32 s19, s7  }
.Ltmp4:
0x59: {  	[bflag:$0x0] =	sbarrier.arrive $0xFFFF;
	(pc) =	sbr.rel @p0 .LBB2_1-.Ltmp4, $4  }
0x5a: {  	[hbm:s6], [sflag:s17] =	dma.local [spmem:s18], $0x2800  }
0x5b: {  	_ =	swait.ge [sflag:s14], $0x2800  }
0x5c: {  	[sflag:s14] =	ssyncset.done $0x0  }
0x5d: {  	[sflag:s14] =	ssyncadd.s32 $0xFFFFD800  }
0x5e: {  	_ =	sfence.sel $0x180000  }
0x5f: {  	[bflag:$0x0] =	sbarrier.arrive $0xFFFF  }
0x60: {  	p0 =	sne.s32 s1, $0x0;
	_ =	strace $0x90000047  }
0x61: {  	s0 =	sadd.s32 @!p0 $0x100000, s0;
	[bflag:$0x2] =	sbarrier.arrive $0xFFFF  }
0x62: {  	[sflag:s0] =	ssyncadd.tile.s32 @!p0 $0x1;
	_ =	shalt  }
.Lfunc_end2:
_tile_overlayer_lowered:
.L_overlay_start_2:
0x63: {  	(tag) =	ssettag $0x2  }
0x64: {  	s0 =	rddreg [dreg:$0x0];
	s2 =	stileid.u32  }
0x65: {  	s1 =	rddreg [dreg:$0x1];
	p0 =	sne.s32 s2, $0x0  }
0x66: {  	s3 =	rddreg [dreg:$0x2];
	[bflag:$0x3] =	sbarrier.arrive $0xFFFF;
	s2 =	simm.s32 @!p0 $0x1C01  }
0x67: {  	[timem:s3], [sflag:s2] =	dma.local @!p0 [hbm:s0], s1  }
0x68: {  	s0 =	simm.s32 @!p0 $0x1  }
0x69: {  	_ =	swait.ge @!p0 [sflag:s0], s1  }
0x6a: {  	s1 =	ssub.s32 @!p0 $0x0, s1;
	[sflag:s0] =	ssyncset.done @!p0 $0x0  }
0x6b: {  	[sflag:s0] =	ssyncadd.s32 @!p0 s1  }
0x6c: {  	[bflag:$0x3] =	sbarrier.arrive $0xFFFF  }
0x6d: {  	_ =	shalt  }

</sc_bundles>
